<compile_context>
chip_gen: v7x
topology: tpu7x:2x2x1
jax: 0.10.2.dev20260603
libtpu: 0.0.44.dev20260713+nightly
codegen_flags: <defaults>
</compile_context>

<pallas_src>
import functools

import jax
import jax.numpy as jnp
from jax import lax
from jax.experimental import pallas as pl
from jax.experimental.pallas import tpu as pltpu
from jax.experimental.pallas import tpu_sc as plsc

_B, _C, _H, _W = 8, 128, 224, 224
_HW = _H * _W
_N = _B * _HW
_NC, _NS = 2, 16
_NW = _NC * _NS
_RPW = _N // _NW
_GS = 112
_K = 2 * _GS
_T = _RPW // _K
_D = 4


def _sc_gather(table, idx):
    mesh = plsc.VectorSubcoreMesh(
        core_axis_name="c", subcore_axis_name="s",
        num_cores=_NC, num_subcores=_NS)

    @functools.partial(
        pl.kernel,
        out_type=jax.ShapeDtypeStruct((_N, _C), jnp.float32),
        mesh=mesh,
        compiler_params=pltpu.CompilerParams(needs_layout_passes=False),
        scratch_types=(
            [pltpu.VMEM((_K,), jnp.int32) for _ in range(_D)]
            + [pltpu.VMEM((_K, _C), jnp.float32) for _ in range(_D)]
            + [pltpu.SemaphoreType.DMA for _ in range(3 * _D)]
        ),
    )
    def k(tab_hbm, idx_hbm, out_hbm, *bufs):
        idx_bufs = bufs[:_D]
        row_bufs = bufs[_D:2 * _D]
        sem_is = bufs[2 * _D:3 * _D]
        sem_gs = bufs[3 * _D:4 * _D]
        sem_os = bufs[4 * _D:5 * _D]
        wid = lax.axis_index("s") * _NC + lax.axis_index("c")
        base = wid * _RPW

        for s in range(_D):
            pltpu.async_copy(idx_hbm.at[pl.ds(base + s * _K, _K)],
                             idx_bufs[s], sem_is[s])

        def chunk_body(t, _):
            for s in range(_D):
                te = t + s
                idx_v, rows_v = idx_bufs[s], row_bufs[s]
                r0 = base + te * _K
                pltpu.make_async_copy(
                    idx_hbm.at[pl.ds(0, _K)], idx_v, sem_is[s]).wait()
                @pl.when(te >= _D)
                def _drain_out():
                    pltpu.make_async_copy(
                        rows_v, out_hbm.at[pl.ds(0, _K)], sem_os[s]).wait()

                for g in range(_K // _GS):
                    pltpu.async_copy(
                        tab_hbm.at[idx_v.at[pl.ds(g * _GS, _GS)]],
                        rows_v.at[pl.ds(g * _GS, _GS)], sem_gs[s])
                for g in range(_K // _GS):
                    pltpu.make_async_copy(
                        tab_hbm.at[idx_v.at[pl.ds(0, _GS)]],
                        rows_v.at[pl.ds(0, _GS)], sem_gs[s]).wait()
                pltpu.async_copy(rows_v, out_hbm.at[pl.ds(r0, _K)], sem_os[s])
                @pl.when(te + _D < _T)
                def _prefetch():
                    pltpu.async_copy(
                        idx_hbm.at[pl.ds(base + (te + _D) * _K, _K)], idx_v,
                        sem_is[s])
            return 0

        lax.fori_loop(0, _T // _D, lambda u, c: chunk_body(u * _D, c), 0)
        for s in range(_D):
            pltpu.make_async_copy(
                row_bufs[s], out_hbm.at[pl.ds(0, _K)], sem_os[s]).wait()

    return k(table, idx)


def kernel(x, table):
    idx = x.reshape(_N)
    emb = _sc_gather(table, idx)
    emb = emb.reshape(_B, _H, _W, _C)
    return jnp.transpose(emb, (0, 3, 1, 2))

# --- scband reference (transcript-rebuilt; emitter-appended) ---
"""Pipeline reference for scband-label-embedding-41291815583957 (READ-ONLY COPY).

The authoritative reference and input builder live on the scoring server;
editing this copy changes nothing except your own understanding.
"""

import jax, jax.numpy as jnp
import numpy as np

NUM_CLASSES = 1000
CHANNELS = 128
B, H, W = 8, 224, 224

def setup_inputs(seed: int = 0) -> dict:
    key = jax.random.key(seed)
    k1, k2 = jax.random.split(key)
    x = jax.random.randint(k1, (B, 1, H, W), 0, NUM_CLASSES, dtype=jnp.int64 if jax.config.jax_enable_x64 else jnp.int32).astype(jnp.int32)
    table = jax.random.normal(k2, (NUM_CLASSES, CHANNELS), dtype=jnp.float32)
    return {"x": x, "table": table}

def reference(x, table):
    # x: (B, 1, H, W) int indices; squeeze channel dim
    idx = x[:, 0]                      # (B, H, W)
    emb = jnp.take(table, idx, axis=0) # (B, H, W, C) embedding gather
    out = jnp.transpose(emb, (0, 3, 1, 2))  # (B, C, H, W), matches permute(0,3,1,2)
    return out

if __name__ == "__main__":
    import jax
    _d = setup_inputs()
    print(jax.jit(kernel)(*tuple(_d.values())))

</pallas_src>

<mosaic_0001>
#map = affine_map<(d0, d1) -> (0, 0)>
#map1 = affine_map<(d0, d1) -> (0)>
module attributes {stable_mosaic.version = 14 : i64} {
  func.func @k(%arg0: i32, %arg1: i32, %arg2: memref<1000x128xf32, #tpu.memory_space<hbm>>, %arg3: memref<401408xi32, #tpu.memory_space<hbm>>, %arg4: memref<401408x128xf32, #tpu.memory_space<hbm>>, %arg5: memref<224xi32, #tpu.memory_space<vmem>>, %arg6: memref<224xi32, #tpu.memory_space<vmem>>, %arg7: memref<224xi32, #tpu.memory_space<vmem>>, %arg8: memref<224xi32, #tpu.memory_space<vmem>>, %arg9: memref<224x128xf32, #tpu.memory_space<vmem>>, %arg10: memref<224x128xf32, #tpu.memory_space<vmem>>, %arg11: memref<224x128xf32, #tpu.memory_space<vmem>>, %arg12: memref<224x128xf32, #tpu.memory_space<vmem>>, %arg13: memref<!tpu.dma_semaphore, #tpu.memory_space<semaphore_mem>>, %arg14: memref<!tpu.dma_semaphore, #tpu.memory_space<semaphore_mem>>, %arg15: memref<!tpu.dma_semaphore, #tpu.memory_space<semaphore_mem>>, %arg16: memref<!tpu.dma_semaphore, #tpu.memory_space<semaphore_mem>>, %arg17: memref<!tpu.dma_semaphore, #tpu.memory_space<semaphore_mem>>, %arg18: memref<!tpu.dma_semaphore, #tpu.memory_space<semaphore_mem>>, %arg19: memref<!tpu.dma_semaphore, #tpu.memory_space<semaphore_mem>>, %arg20: memref<!tpu.dma_semaphore, #tpu.memory_space<semaphore_mem>>, %arg21: memref<!tpu.dma_semaphore, #tpu.memory_space<semaphore_mem>>, %arg22: memref<!tpu.dma_semaphore, #tpu.memory_space<semaphore_mem>>, %arg23: memref<!tpu.dma_semaphore, #tpu.memory_space<semaphore_mem>>, %arg24: memref<!tpu.dma_semaphore, #tpu.memory_space<semaphore_mem>>) attributes {dimension_semantics = [#tpu.dimension_semantics<core_parallel>, #tpu.dimension_semantics<subcore_parallel>], iteration_bounds = array<i64: 2, 16>, scalar_prefetch = 0 : i64, scratch_operands = 20 : i64, tpu.core_type = #tpu.core_type<sc_vector_subcore>, window_params = [{transform_indices = #map}, {transform_indices = #map1}, {transform_indices = #map}]} {
    %mul3A = arith.constant 2 : i32
    %mul3A_0 = arith.muli %arg1, %mul3A : i32
    %add3A = arith.addi %mul3A_0, %arg0 : i32
    %mul3A_1 = arith.constant 12544 : i32
    %mul3A_2 = arith.muli %add3A, %mul3A_1 : i32
    %add3A_3 = arith.constant 0 : i32
    %add3A_4 = arith.addi %mul3A_2, %add3A_3 : i32
    %dma_start3A = tpu.memref_slice %arg3[%add3A_4] : memref<401408xi32, #tpu.memory_space<hbm>> -> memref<224xi32, #tpu.memory_space<hbm>>
    %dma_start3A_5 = tpu.memref_slice %arg3[%add3A_4] : memref<401408xi32, #tpu.memory_space<hbm>> -> memref<224xi32, #tpu.memory_space<hbm>>
    tpu.enqueue_dma source(%dma_start3A_5 : memref<224xi32, #tpu.memory_space<hbm>>) target(%arg5 : memref<224xi32, #tpu.memory_space<vmem>>) target_semaphore(%arg13 : memref<!tpu.dma_semaphore, #tpu.memory_space<semaphore_mem>>)
    %add3A_6 = arith.constant 224 : i32
    %add3A_7 = arith.addi %mul3A_2, %add3A_6 : i32
    %dma_start3A_8 = tpu.memref_slice %arg3[%add3A_7] : memref<401408xi32, #tpu.memory_space<hbm>> -> memref<224xi32, #tpu.memory_space<hbm>>
    %dma_start3A_9 = tpu.memref_slice %arg3[%add3A_7] : memref<401408xi32, #tpu.memory_space<hbm>> -> memref<224xi32, #tpu.memory_space<hbm>>
    tpu.enqueue_dma source(%dma_start3A_9 : memref<224xi32, #tpu.memory_space<hbm>>) target(%arg6 : memref<224xi32, #tpu.memory_space<vmem>>) target_semaphore(%arg14 : memref<!tpu.dma_semaphore, #tpu.memory_space<semaphore_mem>>)
    %add3A_10 = arith.constant 448 : i32
    %add3A_11 = arith.addi %mul3A_2, %add3A_10 : i32
    %dma_start3A_12 = tpu.memref_slice %arg3[%add3A_11] : memref<401408xi32, #tpu.memory_space<hbm>> -> memref<224xi32, #tpu.memory_space<hbm>>
    %dma_start3A_13 = tpu.memref_slice %arg3[%add3A_11] : memref<401408xi32, #tpu.memory_space<hbm>> -> memref<224xi32, #tpu.memory_space<hbm>>
    tpu.enqueue_dma source(%dma_start3A_13 : memref<224xi32, #tpu.memory_space<hbm>>) target(%arg7 : memref<224xi32, #tpu.memory_space<vmem>>) target_semaphore(%arg15 : memref<!tpu.dma_semaphore, #tpu.memory_space<semaphore_mem>>)
    %add3A_14 = arith.constant 672 : i32
    %add3A_15 = arith.addi %mul3A_2, %add3A_14 : i32
    %dma_start3A_16 = tpu.memref_slice %arg3[%add3A_15] : memref<401408xi32, #tpu.memory_space<hbm>> -> memref<224xi32, #tpu.memory_space<hbm>>
    %dma_start3A_17 = tpu.memref_slice %arg3[%add3A_15] : memref<401408xi32, #tpu.memory_space<hbm>> -> memref<224xi32, #tpu.memory_space<hbm>>
    tpu.enqueue_dma source(%dma_start3A_17 : memref<224xi32, #tpu.memory_space<hbm>>) target(%arg8 : memref<224xi32, #tpu.memory_space<vmem>>) target_semaphore(%arg16 : memref<!tpu.dma_semaphore, #tpu.memory_space<semaphore_mem>>)
    %scan3A = arith.constant 0 : i32
    %scan3A_18 = arith.constant 0 : i32
    %scan3A_19 = arith.constant 14 : i32
    %scan3A_20 = arith.addi %scan3A_18, %scan3A_19 : i32
    %scan3A_21 = arith.constant 1 : i32
    %scan3A_22 = scf.for %scan3A_47 = %scan3A_18 to %scan3A_20 step %scan3A_21 iter_args(%scan3A_48 = %scan3A) -> (i32)  : i32 {
      %mul3A_49 = arith.constant 4 : i32
      %mul3A_50 = arith.muli %scan3A_47, %mul3A_49 : i32
      %add3A_51 = arith.constant 0 : i32
      %add3A_52 = arith.addi %mul3A_50, %add3A_51 : i32
      %mul3A_53 = arith.constant 224 : i32
      %mul3A_54 = arith.muli %add3A_52, %mul3A_53 : i32
      %add3A_55 = arith.addi %mul3A_2, %mul3A_54 : i32
      %dma_wait3A_56 = arith.constant 0 : i32
      %dma_wait3A_57 = tpu.memref_slice %arg3[%dma_wait3A_56] : memref<401408xi32, #tpu.memory_space<hbm>> -> memref<224xi32, #tpu.memory_space<hbm>>
      %dma_wait3A_58 = arith.constant 0 : i32
      %dma_wait3A_59 = tpu.memref_slice %arg3[%dma_wait3A_58] : memref<401408xi32, #tpu.memory_space<hbm>> -> memref<224xi32, #tpu.memory_space<hbm>>
      tpu.wait_dma2 semaphore(%arg13 : memref<!tpu.dma_semaphore, #tpu.memory_space<semaphore_mem>>) src(%dma_wait3A_59 : memref<224xi32, #tpu.memory_space<hbm>>) dst(%arg5 : memref<224xi32, #tpu.memory_space<vmem>>)
      %ge3A = arith.constant 4 : i32
      %ge3A_60 = arith.cmpi sge, %add3A_52, %ge3A : i32
      %convert_element_type3A = arith.extui %ge3A_60 : i1 to i32
      %cond3A = arith.constant 0 : i32
      %cond3A_61 = arith.cmpi ne, %convert_element_type3A, %cond3A : i32
      scf.if %cond3A_61 {
        %dma_wait3A_276 = arith.constant 0 : i32
        %dma_wait3A_277 = arith.constant 0 : i32
        %dma_wait3A_278 = tpu.memref_slice %arg4[%dma_wait3A_276, %dma_wait3A_277] : memref<401408x128xf32, #tpu.memory_space<hbm>> -> memref<224x128xf32, #tpu.memory_space<hbm>>
        %dma_wait3A_279 = arith.constant 0 : i32
        %dma_wait3A_280 = arith.constant 0 : i32
        %dma_wait3A_281 = tpu.memref_slice %arg4[%dma_wait3A_279, %dma_wait3A_280] : memref<401408x128xf32, #tpu.memory_space<hbm>> -> memref<224x128xf32, #tpu.memory_space<hbm>>
        tpu.wait_dma2 semaphore(%arg21 : memref<!tpu.dma_semaphore, #tpu.memory_space<semaphore_mem>>) src(%arg9 : memref<224x128xf32, #tpu.memory_space<vmem>>) dst(%dma_wait3A_281 : memref<224x128xf32, #tpu.memory_space<hbm>>)
      } else {
      }
      %dma_start3A_62 = arith.constant 0 : i32
      %dma_start3A_63 = arith.constant 0 : i32
      %dma_start3A_64 = tpu.memref_slice %arg9[%dma_start3A_62, %dma_start3A_63] : memref<224x128xf32, #tpu.memory_space<vmem>> -> memref<112x128xf32, #tpu.memory_space<vmem>>
      %dma_start3A_65 = arith.constant 0 : i32
      %dma_start3A_66 = tpu.memref_slice %arg5[%dma_start3A_65] : memref<224xi32, #tpu.memory_space<vmem>> -> memref<112xi32, #tpu.memory_space<vmem>>
      %dma_start3A_67 = arith.constant 0 : i32
      %dma_start3A_68 = arith.constant 0 : i32
      %dma_start3A_69 = tpu.memref_slice %arg2[%dma_start3A_67, %dma_start3A_68] : memref<1000x128xf32, #tpu.memory_space<hbm>> -> memref<1000x128xf32, #tpu.memory_space<hbm>>
      tpu.enqueue_indirect_dma source(%dma_start3A_69 : memref<1000x128xf32, #tpu.memory_space<hbm>>) target(%dma_start3A_64 : memref<112x128xf32, #tpu.memory_space<vmem>>) offsets(%dma_start3A_66 : memref<112xi32, #tpu.memory_space<vmem>>) semaphore(%arg17 : memref<!tpu.dma_semaphore, #tpu.memory_space<semaphore_mem>>)
      %dma_start3A_70 = arith.constant 112 : i32
      %dma_start3A_71 = arith.constant 0 : i32
      %dma_start3A_72 = tpu.memref_slice %arg9[%dma_start3A_70, %dma_start3A_71] : memref<224x128xf32, #tpu.memory_space<vmem>> -> memref<112x128xf32, #tpu.memory_space<vmem>>
      %dma_start3A_73 = arith.constant 112 : i32
      %dma_start3A_74 = tpu.memref_slice %arg5[%dma_start3A_73] : memref<224xi32, #tpu.memory_space<vmem>> -> memref<112xi32, #tpu.memory_space<vmem>>
      %dma_start3A_75 = arith.constant 0 : i32
      %dma_start3A_76 = arith.constant 0 : i32
      %dma_start3A_77 = tpu.memref_slice %arg2[%dma_start3A_75, %dma_start3A_76] : memref<1000x128xf32, #tpu.memory_space<hbm>> -> memref<1000x128xf32, #tpu.memory_space<hbm>>
      tpu.enqueue_indirect_dma source(%dma_start3A_77 : memref<1000x128xf32, #tpu.memory_space<hbm>>) target(%dma_start3A_72 : memref<112x128xf32, #tpu.memory_space<vmem>>) offsets(%dma_start3A_74 : memref<112xi32, #tpu.memory_space<vmem>>) semaphore(%arg17 : memref<!tpu.dma_semaphore, #tpu.memory_space<semaphore_mem>>)
      %dma_wait3A_78 = arith.constant 0 : i32
      %dma_wait3A_79 = arith.constant 0 : i32
      %dma_wait3A_80 = tpu.memref_slice %arg9[%dma_wait3A_78, %dma_wait3A_79] : memref<224x128xf32, #tpu.memory_space<vmem>> -> memref<112x128xf32, #tpu.memory_space<vmem>>
      %dma_wait3A_81 = arith.constant 0 : i32
      %dma_wait3A_82 = tpu.memref_slice %arg5[%dma_wait3A_81] : memref<224xi32, #tpu.memory_space<vmem>> -> memref<112xi32, #tpu.memory_space<vmem>>
      %dma_wait3A_83 = arith.constant 0 : i32
      %dma_wait3A_84 = arith.constant 0 : i32
      %dma_wait3A_85 = tpu.memref_slice %arg2[%dma_wait3A_83, %dma_wait3A_84] : memref<1000x128xf32, #tpu.memory_space<hbm>> -> memref<1000x128xf32, #tpu.memory_space<hbm>>
      tpu.wait_indirect_dma semaphore(%arg17 : memref<!tpu.dma_semaphore, #tpu.memory_space<semaphore_mem>>) src(%dma_wait3A_85 : memref<1000x128xf32, #tpu.memory_space<hbm>>) dst(%dma_wait3A_80 : memref<112x128xf32, #tpu.memory_space<vmem>>)
      %dma_wait3A_86 = arith.constant 0 : i32
      %dma_wait3A_87 = arith.constant 0 : i32
      %dma_wait3A_88 = tpu.memref_slice %arg9[%dma_wait3A_86, %dma_wait3A_87] : memref<224x128xf32, #tpu.memory_space<vmem>> -> memref<112x128xf32, #tpu.memory_space<vmem>>
      %dma_wait3A_89 = arith.constant 0 : i32
      %dma_wait3A_90 = tpu.memref_slice %arg5[%dma_wait3A_89] : memref<224xi32, #tpu.memory_space<vmem>> -> memref<112xi32, #tpu.memory_space<vmem>>
      %dma_wait3A_91 = arith.constant 0 : i32
      %dma_wait3A_92 = arith.constant 0 : i32
      %dma_wait3A_93 = tpu.memref_slice %arg2[%dma_wait3A_91, %dma_wait3A_92] : memref<1000x128xf32, #tpu.memory_space<hbm>> -> memref<1000x128xf32, #tpu.memory_space<hbm>>
      tpu.wait_indirect_dma semaphore(%arg17 : memref<!tpu.dma_semaphore, #tpu.memory_space<semaphore_mem>>) src(%dma_wait3A_93 : memref<1000x128xf32, #tpu.memory_space<hbm>>) dst(%dma_wait3A_88 : memref<112x128xf32, #tpu.memory_space<vmem>>)
      %dma_start3A_94 = arith.constant 0 : i32
      %dma_start3A_95 = tpu.memref_slice %arg4[%add3A_55, %dma_start3A_94] : memref<401408x128xf32, #tpu.memory_space<hbm>> -> memref<224x128xf32, #tpu.memory_space<hbm>>
      %dma_start3A_96 = arith.constant 0 : i32
      %dma_start3A_97 = tpu.memref_slice %arg4[%add3A_55, %dma_start3A_96] : memref<401408x128xf32, #tpu.memory_space<hbm>> -> memref<224x128xf32, #tpu.memory_space<hbm>>
      tpu.enqueue_dma source(%arg9 : memref<224x128xf32, #tpu.memory_space<vmem>>) target(%dma_start3A_97 : memref<224x128xf32, #tpu.memory_space<hbm>>) target_semaphore(%arg21 : memref<!tpu.dma_semaphore, #tpu.memory_space<semaphore_mem>>)
      %add3A_98 = arith.constant 4 : i32
      %add3A_99 = arith.addi %add3A_52, %add3A_98 : i32
      %lt3A = arith.constant 56 : i32
      %lt3A_100 = arith.cmpi slt, %add3A_99, %lt3A : i32
      %convert_element_type3A_101 = arith.extui %lt3A_100 : i1 to i32
      %cond3A_102 = arith.constant 0 : i32
      %cond3A_103 = arith.cmpi ne, %convert_element_type3A_101, %cond3A_102 : i32
      scf.if %cond3A_103 {
        %add3A_276 = arith.constant 4 : i32
        %add3A_277 = arith.addi %add3A_52, %add3A_276 : i32
        %mul3A_278 = arith.constant 224 : i32
        %mul3A_279 = arith.muli %add3A_277, %mul3A_278 : i32
        %add3A_280 = arith.addi %mul3A_2, %mul3A_279 : i32
        %dma_start3A_281 = tpu.memref_slice %arg3[%add3A_280] : memref<401408xi32, #tpu.memory_space<hbm>> -> memref<224xi32, #tpu.memory_space<hbm>>
        %dma_start3A_282 = tpu.memref_slice %arg3[%add3A_280] : memref<401408xi32, #tpu.memory_space<hbm>> -> memref<224xi32, #tpu.memory_space<hbm>>
        tpu.enqueue_dma source(%dma_start3A_282 : memref<224xi32, #tpu.memory_space<hbm>>) target(%arg5 : memref<224xi32, #tpu.memory_space<vmem>>) target_semaphore(%arg13 : memref<!tpu.dma_semaphore, #tpu.memory_space<semaphore_mem>>)
      } else {
      }
      %add3A_104 = arith.constant 1 : i32
      %add3A_105 = arith.addi %mul3A_50, %add3A_104 : i32
      %mul3A_106 = arith.constant 224 : i32
      %mul3A_107 = arith.muli %add3A_105, %mul3A_106 : i32
      %add3A_108 = arith.addi %mul3A_2, %mul3A_107 : i32
      %dma_wait3A_109 = arith.constant 0 : i32
      %dma_wait3A_110 = tpu.memref_slice %arg3[%dma_wait3A_109] : memref<401408xi32, #tpu.memory_space<hbm>> -> memref<224xi32, #tpu.memory_space<hbm>>
      %dma_wait3A_111 = arith.constant 0 : i32
      %dma_wait3A_112 = tpu.memref_slice %arg3[%dma_wait3A_111] : memref<401408xi32, #tpu.memory_space<hbm>> -> memref<224xi32, #tpu.memory_space<hbm>>
      tpu.wait_dma2 semaphore(%arg14 : memref<!tpu.dma_semaphore, #tpu.memory_space<semaphore_mem>>) src(%dma_wait3A_112 : memref<224xi32, #tpu.memory_space<hbm>>) dst(%arg6 : memref<224xi32, #tpu.memory_space<vmem>>)
      %ge3A_113 = arith.constant 4 : i32
      %ge3A_114 = arith.cmpi sge, %add3A_105, %ge3A_113 : i32
      %convert_element_type3A_115 = arith.extui %ge3A_114 : i1 to i32
      %cond3A_116 = arith.constant 0 : i32
      %cond3A_117 = arith.cmpi ne, %convert_element_type3A_115, %cond3A_116 : i32
      scf.if %cond3A_117 {
        %dma_wait3A_276 = arith.constant 0 : i32
        %dma_wait3A_277 = arith.constant 0 : i32
        %dma_wait3A_278 = tpu.memref_slice %arg4[%dma_wait3A_276, %dma_wait3A_277] : memref<401408x128xf32, #tpu.memory_space<hbm>> -> memref<224x128xf32, #tpu.memory_space<hbm>>
        %dma_wait3A_279 = arith.constant 0 : i32
        %dma_wait3A_280 = arith.constant 0 : i32
        %dma_wait3A_281 = tpu.memref_slice %arg4[%dma_wait3A_279, %dma_wait3A_280] : memref<401408x128xf32, #tpu.memory_space<hbm>> -> memref<224x128xf32, #tpu.memory_space<hbm>>
        tpu.wait_dma2 semaphore(%arg22 : memref<!tpu.dma_semaphore, #tpu.memory_space<semaphore_mem>>) src(%arg10 : memref<224x128xf32, #tpu.memory_space<vmem>>) dst(%dma_wait3A_281 : memref<224x128xf32, #tpu.memory_space<hbm>>)
      } else {
      }
      %dma_start3A_118 = arith.constant 0 : i32
      %dma_start3A_119 = arith.constant 0 : i32
      %dma_start3A_120 = tpu.memref_slice %arg10[%dma_start3A_118, %dma_start3A_119] : memref<224x128xf32, #tpu.memory_space<vmem>> -> memref<112x128xf32, #tpu.memory_space<vmem>>
      %dma_start3A_121 = arith.constant 0 : i32
      %dma_start3A_122 = tpu.memref_slice %arg6[%dma_start3A_121] : memref<224xi32, #tpu.memory_space<vmem>> -> memref<112xi32, #tpu.memory_space<vmem>>
      %dma_start3A_123 = arith.constant 0 : i32
      %dma_start3A_124 = arith.constant 0 : i32
      %dma_start3A_125 = tpu.memref_slice %arg2[%dma_start3A_123, %dma_start3A_124] : memref<1000x128xf32, #tpu.memory_space<hbm>> -> memref<1000x128xf32, #tpu.memory_space<hbm>>
      tpu.enqueue_indirect_dma source(%dma_start3A_125 : memref<1000x128xf32, #tpu.memory_space<hbm>>) target(%dma_start3A_120 : memref<112x128xf32, #tpu.memory_space<vmem>>) offsets(%dma_start3A_122 : memref<112xi32, #tpu.memory_space<vmem>>) semaphore(%arg18 : memref<!tpu.dma_semaphore, #tpu.memory_space<semaphore_mem>>)
      %dma_start3A_126 = arith.constant 112 : i32
      %dma_start3A_127 = arith.constant 0 : i32
      %dma_start3A_128 = tpu.memref_slice %arg10[%dma_start3A_126, %dma_start3A_127] : memref<224x128xf32, #tpu.memory_space<vmem>> -> memref<112x128xf32, #tpu.memory_space<vmem>>
      %dma_start3A_129 = arith.constant 112 : i32
      %dma_start3A_130 = tpu.memref_slice %arg6[%dma_start3A_129] : memref<224xi32, #tpu.memory_space<vmem>> -> memref<112xi32, #tpu.memory_space<vmem>>
      %dma_start3A_131 = arith.constant 0 : i32
      %dma_start3A_132 = arith.constant 0 : i32
      %dma_start3A_133 = tpu.memref_slice %arg2[%dma_start3A_131, %dma_start3A_132] : memref<1000x128xf32, #tpu.memory_space<hbm>> -> memref<1000x128xf32, #tpu.memory_space<hbm>>
      tpu.enqueue_indirect_dma source(%dma_start3A_133 : memref<1000x128xf32, #tpu.memory_space<hbm>>) target(%dma_start3A_128 : memref<112x128xf32, #tpu.memory_space<vmem>>) offsets(%dma_start3A_130 : memref<112xi32, #tpu.memory_space<vmem>>) semaphore(%arg18 : memref<!tpu.dma_semaphore, #tpu.memory_space<semaphore_mem>>)
      %dma_wait3A_134 = arith.constant 0 : i32
      %dma_wait3A_135 = arith.constant 0 : i32
      %dma_wait3A_136 = tpu.memref_slice %arg10[%dma_wait3A_134, %dma_wait3A_135] : memref<224x128xf32, #tpu.memory_space<vmem>> -> memref<112x128xf32, #tpu.memory_space<vmem>>
      %dma_wait3A_137 = arith.constant 0 : i32
      %dma_wait3A_138 = tpu.memref_slice %arg6[%dma_wait3A_137] : memref<224xi32, #tpu.memory_space<vmem>> -> memref<112xi32, #tpu.memory_space<vmem>>
      %dma_wait3A_139 = arith.constant 0 : i32
      %dma_wait3A_140 = arith.constant 0 : i32
      %dma_wait3A_141 = tpu.memref_slice %arg2[%dma_wait3A_139, %dma_wait3A_140] : memref<1000x128xf32, #tpu.memory_space<hbm>> -> memref<1000x128xf32, #tpu.memory_space<hbm>>
      tpu.wait_indirect_dma semaphore(%arg18 : memref<!tpu.dma_semaphore, #tpu.memory_space<semaphore_mem>>) src(%dma_wait3A_141 : memref<1000x128xf32, #tpu.memory_space<hbm>>) dst(%dma_wait3A_136 : memref<112x128xf32, #tpu.memory_space<vmem>>)
      %dma_wait3A_142 = arith.constant 0 : i32
      %dma_wait3A_143 = arith.constant 0 : i32
      %dma_wait3A_144 = tpu.memref_slice %arg10[%dma_wait3A_142, %dma_wait3A_143] : memref<224x128xf32, #tpu.memory_space<vmem>> -> memref<112x128xf32, #tpu.memory_space<vmem>>
      %dma_wait3A_145 = arith.constant 0 : i32
      %dma_wait3A_146 = tpu.memref_slice %arg6[%dma_wait3A_145] : memref<224xi32, #tpu.memory_space<vmem>> -> memref<112xi32, #tpu.memory_space<vmem>>
      %dma_wait3A_147 = arith.constant 0 : i32
      %dma_wait3A_148 = arith.constant 0 : i32
      %dma_wait3A_149 = tpu.memref_slice %arg2[%dma_wait3A_147, %dma_wait3A_148] : memref<1000x128xf32, #tpu.memory_space<hbm>> -> memref<1000x128xf32, #tpu.memory_space<hbm>>
      tpu.wait_indirect_dma semaphore(%arg18 : memref<!tpu.dma_semaphore, #tpu.memory_space<semaphore_mem>>) src(%dma_wait3A_149 : memref<1000x128xf32, #tpu.memory_space<hbm>>) dst(%dma_wait3A_144 : memref<112x128xf32, #tpu.memory_space<vmem>>)
      %dma_start3A_150 = arith.constant 0 : i32
      %dma_start3A_151 = tpu.memref_slice %arg4[%add3A_108, %dma_start3A_150] : memref<401408x128xf32, #tpu.memory_space<hbm>> -> memref<224x128xf32, #tpu.memory_space<hbm>>
      %dma_start3A_152 = arith.constant 0 : i32
      %dma_start3A_153 = tpu.memref_slice %arg4[%add3A_108, %dma_start3A_152] : memref<401408x128xf32, #tpu.memory_space<hbm>> -> memref<224x128xf32, #tpu.memory_space<hbm>>
      tpu.enqueue_dma source(%arg10 : memref<224x128xf32, #tpu.memory_space<vmem>>) target(%dma_start3A_153 : memref<224x128xf32, #tpu.memory_space<hbm>>) target_semaphore(%arg22 : memref<!tpu.dma_semaphore, #tpu.memory_space<semaphore_mem>>)
      %add3A_154 = arith.constant 4 : i32
      %add3A_155 = arith.addi %add3A_105, %add3A_154 : i32
      %lt3A_156 = arith.constant 56 : i32
      %lt3A_157 = arith.cmpi slt, %add3A_155, %lt3A_156 : i32
      %convert_element_type3A_158 = arith.extui %lt3A_157 : i1 to i32
      %cond3A_159 = arith.constant 0 : i32
      %cond3A_160 = arith.cmpi ne, %convert_element_type3A_158, %cond3A_159 : i32
      scf.if %cond3A_160 {
        %add3A_276 = arith.constant 4 : i32
        %add3A_277 = arith.addi %add3A_105, %add3A_276 : i32
        %mul3A_278 = arith.constant 224 : i32
        %mul3A_279 = arith.muli %add3A_277, %mul3A_278 : i32
        %add3A_280 = arith.addi %mul3A_2, %mul3A_279 : i32
        %dma_start3A_281 = tpu.memref_slice %arg3[%add3A_280] : memref<401408xi32, #tpu.memory_space<hbm>> -> memref<224xi32, #tpu.memory_space<hbm>>
        %dma_start3A_282 = tpu.memref_slice %arg3[%add3A_280] : memref<401408xi32, #tpu.memory_space<hbm>> -> memref<224xi32, #tpu.memory_space<hbm>>
        tpu.enqueue_dma source(%dma_start3A_282 : memref<224xi32, #tpu.memory_space<hbm>>) target(%arg6 : memref<224xi32, #tpu.memory_space<vmem>>) target_semaphore(%arg14 : memref<!tpu.dma_semaphore, #tpu.memory_space<semaphore_mem>>)
      } else {
      }
      %add3A_161 = arith.constant 2 : i32
      %add3A_162 = arith.addi %mul3A_50, %add3A_161 : i32
      %mul3A_163 = arith.constant 224 : i32
      %mul3A_164 = arith.muli %add3A_162, %mul3A_163 : i32
      %add3A_165 = arith.addi %mul3A_2, %mul3A_164 : i32
      %dma_wait3A_166 = arith.constant 0 : i32
      %dma_wait3A_167 = tpu.memref_slice %arg3[%dma_wait3A_166] : memref<401408xi32, #tpu.memory_space<hbm>> -> memref<224xi32, #tpu.memory_space<hbm>>
      %dma_wait3A_168 = arith.constant 0 : i32
      %dma_wait3A_169 = tpu.memref_slice %arg3[%dma_wait3A_168] : memref<401408xi32, #tpu.memory_space<hbm>> -> memref<224xi32, #tpu.memory_space<hbm>>
      tpu.wait_dma2 semaphore(%arg15 : memref<!tpu.dma_semaphore, #tpu.memory_space<semaphore_mem>>) src(%dma_wait3A_169 : memref<224xi32, #tpu.memory_space<hbm>>) dst(%arg7 : memref<224xi32, #tpu.memory_space<vmem>>)
      %ge3A_170 = arith.constant 4 : i32
      %ge3A_171 = arith.cmpi sge, %add3A_162, %ge3A_170 : i32
      %convert_element_type3A_172 = arith.extui %ge3A_171 : i1 to i32
      %cond3A_173 = arith.constant 0 : i32
      %cond3A_174 = arith.cmpi ne, %convert_element_type3A_172, %cond3A_173 : i32
      scf.if %cond3A_174 {
        %dma_wait3A_276 = arith.constant 0 : i32
        %dma_wait3A_277 = arith.constant 0 : i32
        %dma_wait3A_278 = tpu.memref_slice %arg4[%dma_wait3A_276, %dma_wait3A_277] : memref<401408x128xf32, #tpu.memory_space<hbm>> -> memref<224x128xf32, #tpu.memory_space<hbm>>
        %dma_wait3A_279 = arith.constant 0 : i32
        %dma_wait3A_280 = arith.constant 0 : i32
        %dma_wait3A_281 = tpu.memref_slice %arg4[%dma_wait3A_279, %dma_wait3A_280] : memref<401408x128xf32, #tpu.memory_space<hbm>> -> memref<224x128xf32, #tpu.memory_space<hbm>>
        tpu.wait_dma2 semaphore(%arg23 : memref<!tpu.dma_semaphore, #tpu.memory_space<semaphore_mem>>) src(%arg11 : memref<224x128xf32, #tpu.memory_space<vmem>>) dst(%dma_wait3A_281 : memref<224x128xf32, #tpu.memory_space<hbm>>)
      } else {
      }
      %dma_start3A_175 = arith.constant 0 : i32
      %dma_start3A_176 = arith.constant 0 : i32
      %dma_start3A_177 = tpu.memref_slice %arg11[%dma_start3A_175, %dma_start3A_176] : memref<224x128xf32, #tpu.memory_space<vmem>> -> memref<112x128xf32, #tpu.memory_space<vmem>>
      %dma_start3A_178 = arith.constant 0 : i32
      %dma_start3A_179 = tpu.memref_slice %arg7[%dma_start3A_178] : memref<224xi32, #tpu.memory_space<vmem>> -> memref<112xi32, #tpu.memory_space<vmem>>
      %dma_start3A_180 = arith.constant 0 : i32
      %dma_start3A_181 = arith.constant 0 : i32
      %dma_start3A_182 = tpu.memref_slice %arg2[%dma_start3A_180, %dma_start3A_181] : memref<1000x128xf32, #tpu.memory_space<hbm>> -> memref<1000x128xf32, #tpu.memory_space<hbm>>
      tpu.enqueue_indirect_dma source(%dma_start3A_182 : memref<1000x128xf32, #tpu.memory_space<hbm>>) target(%dma_start3A_177 : memref<112x128xf32, #tpu.memory_space<vmem>>) offsets(%dma_start3A_179 : memref<112xi32, #tpu.memory_space<vmem>>) semaphore(%arg19 : memref<!tpu.dma_semaphore, #tpu.memory_space<semaphore_mem>>)
      %dma_start3A_183 = arith.constant 112 : i32
      %dma_start3A_184 = arith.constant 0 : i32
      %dma_start3A_185 = tpu.memref_slice %arg11[%dma_start3A_183, %dma_start3A_184] : memref<224x128xf32, #tpu.memory_space<vmem>> -> memref<112x128xf32, #tpu.memory_space<vmem>>
      %dma_start3A_186 = arith.constant 112 : i32
      %dma_start3A_187 = tpu.memref_slice %arg7[%dma_start3A_186] : memref<224xi32, #tpu.memory_space<vmem>> -> memref<112xi32, #tpu.memory_space<vmem>>
      %dma_start3A_188 = arith.constant 0 : i32
      %dma_start3A_189 = arith.constant 0 : i32
      %dma_start3A_190 = tpu.memref_slice %arg2[%dma_start3A_188, %dma_start3A_189] : memref<1000x128xf32, #tpu.memory_space<hbm>> -> memref<1000x128xf32, #tpu.memory_space<hbm>>
      tpu.enqueue_indirect_dma source(%dma_start3A_190 : memref<1000x128xf32, #tpu.memory_space<hbm>>) target(%dma_start3A_185 : memref<112x128xf32, #tpu.memory_space<vmem>>) offsets(%dma_start3A_187 : memref<112xi32, #tpu.memory_space<vmem>>) semaphore(%arg19 : memref<!tpu.dma_semaphore, #tpu.memory_space<semaphore_mem>>)
      %dma_wait3A_191 = arith.constant 0 : i32
      %dma_wait3A_192 = arith.constant 0 : i32
      %dma_wait3A_193 = tpu.memref_slice %arg11[%dma_wait3A_191, %dma_wait3A_192] : memref<224x128xf32, #tpu.memory_space<vmem>> -> memref<112x128xf32, #tpu.memory_space<vmem>>
      %dma_wait3A_194 = arith.constant 0 : i32
      %dma_wait3A_195 = tpu.memref_slice %arg7[%dma_wait3A_194] : memref<224xi32, #tpu.memory_space<vmem>> -> memref<112xi32, #tpu.memory_space<vmem>>
      %dma_wait3A_196 = arith.constant 0 : i32
      %dma_wait3A_197 = arith.constant 0 : i32
      %dma_wait3A_198 = tpu.memref_slice %arg2[%dma_wait3A_196, %dma_wait3A_197] : memref<1000x128xf32, #tpu.memory_space<hbm>> -> memref<1000x128xf32, #tpu.memory_space<hbm>>
      tpu.wait_indirect_dma semaphore(%arg19 : memref<!tpu.dma_semaphore, #tpu.memory_space<semaphore_mem>>) src(%dma_wait3A_198 : memref<1000x128xf32, #tpu.memory_space<hbm>>) dst(%dma_wait3A_193 : memref<112x128xf32, #tpu.memory_space<vmem>>)
      %dma_wait3A_199 = arith.constant 0 : i32
      %dma_wait3A_200 = arith.constant 0 : i32
      %dma_wait3A_201 = tpu.memref_slice %arg11[%dma_wait3A_199, %dma_wait3A_200] : memref<224x128xf32, #tpu.memory_space<vmem>> -> memref<112x128xf32, #tpu.memory_space<vmem>>
      %dma_wait3A_202 = arith.constant 0 : i32
      %dma_wait3A_203 = tpu.memref_slice %arg7[%dma_wait3A_202] : memref<224xi32, #tpu.memory_space<vmem>> -> memref<112xi32, #tpu.memory_space<vmem>>
      %dma_wait3A_204 = arith.constant 0 : i32
      %dma_wait3A_205 = arith.constant 0 : i32
      %dma_wait3A_206 = tpu.memref_slice %arg2[%dma_wait3A_204, %dma_wait3A_205] : memref<1000x128xf32, #tpu.memory_space<hbm>> -> memref<1000x128xf32, #tpu.memory_space<hbm>>
      tpu.wait_indirect_dma semaphore(%arg19 : memref<!tpu.dma_semaphore, #tpu.memory_space<semaphore_mem>>) src(%dma_wait3A_206 : memref<1000x128xf32, #tpu.memory_space<hbm>>) dst(%dma_wait3A_201 : memref<112x128xf32, #tpu.memory_space<vmem>>)
      %dma_start3A_207 = arith.constant 0 : i32
      %dma_start3A_208 = tpu.memref_slice %arg4[%add3A_165, %dma_start3A_207] : memref<401408x128xf32, #tpu.memory_space<hbm>> -> memref<224x128xf32, #tpu.memory_space<hbm>>
      %dma_start3A_209 = arith.constant 0 : i32
      %dma_start3A_210 = tpu.memref_slice %arg4[%add3A_165, %dma_start3A_209] : memref<401408x128xf32, #tpu.memory_space<hbm>> -> memref<224x128xf32, #tpu.memory_space<hbm>>
      tpu.enqueue_dma source(%arg11 : memref<224x128xf32, #tpu.memory_space<vmem>>) target(%dma_start3A_210 : memref<224x128xf32, #tpu.memory_space<hbm>>) target_semaphore(%arg23 : memref<!tpu.dma_semaphore, #tpu.memory_space<semaphore_mem>>)
      %add3A_211 = arith.constant 4 : i32
      %add3A_212 = arith.addi %add3A_162, %add3A_211 : i32
      %lt3A_213 = arith.constant 56 : i32
      %lt3A_214 = arith.cmpi slt, %add3A_212, %lt3A_213 : i32
      %convert_element_type3A_215 = arith.extui %lt3A_214 : i1 to i32
      %cond3A_216 = arith.constant 0 : i32
      %cond3A_217 = arith.cmpi ne, %convert_element_type3A_215, %cond3A_216 : i32
      scf.if %cond3A_217 {
        %add3A_276 = arith.constant 4 : i32
        %add3A_277 = arith.addi %add3A_162, %add3A_276 : i32
        %mul3A_278 = arith.constant 224 : i32
        %mul3A_279 = arith.muli %add3A_277, %mul3A_278 : i32
        %add3A_280 = arith.addi %mul3A_2, %mul3A_279 : i32
        %dma_start3A_281 = tpu.memref_slice %arg3[%add3A_280] : memref<401408xi32, #tpu.memory_space<hbm>> -> memref<224xi32, #tpu.memory_space<hbm>>
        %dma_start3A_282 = tpu.memref_slice %arg3[%add3A_280] : memref<401408xi32, #tpu.memory_space<hbm>> -> memref<224xi32, #tpu.memory_space<hbm>>
        tpu.enqueue_dma source(%dma_start3A_282 : memref<224xi32, #tpu.memory_space<hbm>>) target(%arg7 : memref<224xi32, #tpu.memory_space<vmem>>) target_semaphore(%arg15 : memref<!tpu.dma_semaphore, #tpu.memory_space<semaphore_mem>>)
      } else {
      }
      %add3A_218 = arith.constant 3 : i32
      %add3A_219 = arith.addi %mul3A_50, %add3A_218 : i32
      %mul3A_220 = arith.constant 224 : i32
      %mul3A_221 = arith.muli %add3A_219, %mul3A_220 : i32
      %add3A_222 = arith.addi %mul3A_2, %mul3A_221 : i32
      %dma_wait3A_223 = arith.constant 0 : i32
      %dma_wait3A_224 = tpu.memref_slice %arg3[%dma_wait3A_223] : memref<401408xi32, #tpu.memory_space<hbm>> -> memref<224xi32, #tpu.memory_space<hbm>>
      %dma_wait3A_225 = arith.constant 0 : i32
      %dma_wait3A_226 = tpu.memref_slice %arg3[%dma_wait3A_225] : memref<401408xi32, #tpu.memory_space<hbm>> -> memref<224xi32, #tpu.memory_space<hbm>>
      tpu.wait_dma2 semaphore(%arg16 : memref<!tpu.dma_semaphore, #tpu.memory_space<semaphore_mem>>) src(%dma_wait3A_226 : memref<224xi32, #tpu.memory_space<hbm>>) dst(%arg8 : memref<224xi32, #tpu.memory_space<vmem>>)
      %ge3A_227 = arith.constant 4 : i32
      %ge3A_228 = arith.cmpi sge, %add3A_219, %ge3A_227 : i32
      %convert_element_type3A_229 = arith.extui %ge3A_228 : i1 to i32
      %cond3A_230 = arith.constant 0 : i32
      %cond3A_231 = arith.cmpi ne, %convert_element_type3A_229, %cond3A_230 : i32
      scf.if %cond3A_231 {
        %dma_wait3A_276 = arith.constant 0 : i32
        %dma_wait3A_277 = arith.constant 0 : i32
        %dma_wait3A_278 = tpu.memref_slice %arg4[%dma_wait3A_276, %dma_wait3A_277] : memref<401408x128xf32, #tpu.memory_space<hbm>> -> memref<224x128xf32, #tpu.memory_space<hbm>>
        %dma_wait3A_279 = arith.constant 0 : i32
        %dma_wait3A_280 = arith.constant 0 : i32
        %dma_wait3A_281 = tpu.memref_slice %arg4[%dma_wait3A_279, %dma_wait3A_280] : memref<401408x128xf32, #tpu.memory_space<hbm>> -> memref<224x128xf32, #tpu.memory_space<hbm>>
        tpu.wait_dma2 semaphore(%arg24 : memref<!tpu.dma_semaphore, #tpu.memory_space<semaphore_mem>>) src(%arg12 : memref<224x128xf32, #tpu.memory_space<vmem>>) dst(%dma_wait3A_281 : memref<224x128xf32, #tpu.memory_space<hbm>>)
      } else {
      }
      %dma_start3A_232 = arith.constant 0 : i32
      %dma_start3A_233 = arith.constant 0 : i32
      %dma_start3A_234 = tpu.memref_slice %arg12[%dma_start3A_232, %dma_start3A_233] : memref<224x128xf32, #tpu.memory_space<vmem>> -> memref<112x128xf32, #tpu.memory_space<vmem>>
      %dma_start3A_235 = arith.constant 0 : i32
      %dma_start3A_236 = tpu.memref_slice %arg8[%dma_start3A_235] : memref<224xi32, #tpu.memory_space<vmem>> -> memref<112xi32, #tpu.memory_space<vmem>>
      %dma_start3A_237 = arith.constant 0 : i32
      %dma_start3A_238 = arith.constant 0 : i32
      %dma_start3A_239 = tpu.memref_slice %arg2[%dma_start3A_237, %dma_start3A_238] : memref<1000x128xf32, #tpu.memory_space<hbm>> -> memref<1000x128xf32, #tpu.memory_space<hbm>>
      tpu.enqueue_indirect_dma source(%dma_start3A_239 : memref<1000x128xf32, #tpu.memory_space<hbm>>) target(%dma_start3A_234 : memref<112x128xf32, #tpu.memory_space<vmem>>) offsets(%dma_start3A_236 : memref<112xi32, #tpu.memory_space<vmem>>) semaphore(%arg20 : memref<!tpu.dma_semaphore, #tpu.memory_space<semaphore_mem>>)
      %dma_start3A_240 = arith.constant 112 : i32
      %dma_start3A_241 = arith.constant 0 : i32
      %dma_start3A_242 = tpu.memref_slice %arg12[%dma_start3A_240, %dma_start3A_241] : memref<224x128xf32, #tpu.memory_space<vmem>> -> memref<112x128xf32, #tpu.memory_space<vmem>>
      %dma_start3A_243 = arith.constant 112 : i32
      %dma_start3A_244 = tpu.memref_slice %arg8[%dma_start3A_243] : memref<224xi32, #tpu.memory_space<vmem>> -> memref<112xi32, #tpu.memory_space<vmem>>
      %dma_start3A_245 = arith.constant 0 : i32
      %dma_start3A_246 = arith.constant 0 : i32
      %dma_start3A_247 = tpu.memref_slice %arg2[%dma_start3A_245, %dma_start3A_246] : memref<1000x128xf32, #tpu.memory_space<hbm>> -> memref<1000x128xf32, #tpu.memory_space<hbm>>
      tpu.enqueue_indirect_dma source(%dma_start3A_247 : memref<1000x128xf32, #tpu.memory_space<hbm>>) target(%dma_start3A_242 : memref<112x128xf32, #tpu.memory_space<vmem>>) offsets(%dma_start3A_244 : memref<112xi32, #tpu.memory_space<vmem>>) semaphore(%arg20 : memref<!tpu.dma_semaphore, #tpu.memory_space<semaphore_mem>>)
      %dma_wait3A_248 = arith.constant 0 : i32
      %dma_wait3A_249 = arith.constant 0 : i32
      %dma_wait3A_250 = tpu.memref_slice %arg12[%dma_wait3A_248, %dma_wait3A_249] : memref<224x128xf32, #tpu.memory_space<vmem>> -> memref<112x128xf32, #tpu.memory_space<vmem>>
      %dma_wait3A_251 = arith.constant 0 : i32
      %dma_wait3A_252 = tpu.memref_slice %arg8[%dma_wait3A_251] : memref<224xi32, #tpu.memory_space<vmem>> -> memref<112xi32, #tpu.memory_space<vmem>>
      %dma_wait3A_253 = arith.constant 0 : i32
      %dma_wait3A_254 = arith.constant 0 : i32
      %dma_wait3A_255 = tpu.memref_slice %arg2[%dma_wait3A_253, %dma_wait3A_254] : memref<1000x128xf32, #tpu.memory_space<hbm>> -> memref<1000x128xf32, #tpu.memory_space<hbm>>
      tpu.wait_indirect_dma semaphore(%arg20 : memref<!tpu.dma_semaphore, #tpu.memory_space<semaphore_mem>>) src(%dma_wait3A_255 : memref<1000x128xf32, #tpu.memory_space<hbm>>) dst(%dma_wait3A_250 : memref<112x128xf32, #tpu.memory_space<vmem>>)
      %dma_wait3A_256 = arith.constant 0 : i32
      %dma_wait3A_257 = arith.constant 0 : i32
      %dma_wait3A_258 = tpu.memref_slice %arg12[%dma_wait3A_256, %dma_wait3A_257] : memref<224x128xf32, #tpu.memory_space<vmem>> -> memref<112x128xf32, #tpu.memory_space<vmem>>
      %dma_wait3A_259 = arith.constant 0 : i32
      %dma_wait3A_260 = tpu.memref_slice %arg8[%dma_wait3A_259] : memref<224xi32, #tpu.memory_space<vmem>> -> memref<112xi32, #tpu.memory_space<vmem>>
      %dma_wait3A_261 = arith.constant 0 : i32
      %dma_wait3A_262 = arith.constant 0 : i32
      %dma_wait3A_263 = tpu.memref_slice %arg2[%dma_wait3A_261, %dma_wait3A_262] : memref<1000x128xf32, #tpu.memory_space<hbm>> -> memref<1000x128xf32, #tpu.memory_space<hbm>>
      tpu.wait_indirect_dma semaphore(%arg20 : memref<!tpu.dma_semaphore, #tpu.memory_space<semaphore_mem>>) src(%dma_wait3A_263 : memref<1000x128xf32, #tpu.memory_space<hbm>>) dst(%dma_wait3A_258 : memref<112x128xf32, #tpu.memory_space<vmem>>)
      %dma_start3A_264 = arith.constant 0 : i32
      %dma_start3A_265 = tpu.memref_slice %arg4[%add3A_222, %dma_start3A_264] : memref<401408x128xf32, #tpu.memory_space<hbm>> -> memref<224x128xf32, #tpu.memory_space<hbm>>
      %dma_start3A_266 = arith.constant 0 : i32
      %dma_start3A_267 = tpu.memref_slice %arg4[%add3A_222, %dma_start3A_266] : memref<401408x128xf32, #tpu.memory_space<hbm>> -> memref<224x128xf32, #tpu.memory_space<hbm>>
      tpu.enqueue_dma source(%arg12 : memref<224x128xf32, #tpu.memory_space<vmem>>) target(%dma_start3A_267 : memref<224x128xf32, #tpu.memory_space<hbm>>) target_semaphore(%arg24 : memref<!tpu.dma_semaphore, #tpu.memory_space<semaphore_mem>>)
      %add3A_268 = arith.constant 4 : i32
      %add3A_269 = arith.addi %add3A_219, %add3A_268 : i32
      %lt3A_270 = arith.constant 56 : i32
      %lt3A_271 = arith.cmpi slt, %add3A_269, %lt3A_270 : i32
      %convert_element_type3A_272 = arith.extui %lt3A_271 : i1 to i32
      %cond3A_273 = arith.constant 0 : i32
      %cond3A_274 = arith.cmpi ne, %convert_element_type3A_272, %cond3A_273 : i32
      scf.if %cond3A_274 {
        %add3A_276 = arith.constant 4 : i32
        %add3A_277 = arith.addi %add3A_219, %add3A_276 : i32
        %mul3A_278 = arith.constant 224 : i32
        %mul3A_279 = arith.muli %add3A_277, %mul3A_278 : i32
        %add3A_280 = arith.addi %mul3A_2, %mul3A_279 : i32
        %dma_start3A_281 = tpu.memref_slice %arg3[%add3A_280] : memref<401408xi32, #tpu.memory_space<hbm>> -> memref<224xi32, #tpu.memory_space<hbm>>
        %dma_start3A_282 = tpu.memref_slice %arg3[%add3A_280] : memref<401408xi32, #tpu.memory_space<hbm>> -> memref<224xi32, #tpu.memory_space<hbm>>
        tpu.enqueue_dma source(%dma_start3A_282 : memref<224xi32, #tpu.memory_space<hbm>>) target(%arg8 : memref<224xi32, #tpu.memory_space<vmem>>) target_semaphore(%arg16 : memref<!tpu.dma_semaphore, #tpu.memory_space<semaphore_mem>>)
      } else {
      }
      %scan3A_275 = arith.constant 0 : i32
      scf.yield %scan3A_275 : i32
    }
    %scan3A_23 = arith.constant 14 : i32
    %dma_wait3A = arith.constant 0 : i32
    %dma_wait3A_24 = arith.constant 0 : i32
    %dma_wait3A_25 = tpu.memref_slice %arg4[%dma_wait3A, %dma_wait3A_24] : memref<401408x128xf32, #tpu.memory_space<hbm>> -> memref<224x128xf32, #tpu.memory_space<hbm>>
    %dma_wait3A_26 = arith.constant 0 : i32
    %dma_wait3A_27 = arith.constant 0 : i32
    %dma_wait3A_28 = tpu.memref_slice %arg4[%dma_wait3A_26, %dma_wait3A_27] : memref<401408x128xf32, #tpu.memory_space<hbm>> -> memref<224x128xf32, #tpu.memory_space<hbm>>
    tpu.wait_dma2 semaphore(%arg21 : memref<!tpu.dma_semaphore, #tpu.memory_space<semaphore_mem>>) src(%arg9 : memref<224x128xf32, #tpu.memory_space<vmem>>) dst(%dma_wait3A_28 : memref<224x128xf32, #tpu.memory_space<hbm>>)
    %dma_wait3A_29 = arith.constant 0 : i32
    %dma_wait3A_30 = arith.constant 0 : i32
    %dma_wait3A_31 = tpu.memref_slice %arg4[%dma_wait3A_29, %dma_wait3A_30] : memref<401408x128xf32, #tpu.memory_space<hbm>> -> memref<224x128xf32, #tpu.memory_space<hbm>>
    %dma_wait3A_32 = arith.constant 0 : i32
    %dma_wait3A_33 = arith.constant 0 : i32
    %dma_wait3A_34 = tpu.memref_slice %arg4[%dma_wait3A_32, %dma_wait3A_33] : memref<401408x128xf32, #tpu.memory_space<hbm>> -> memref<224x128xf32, #tpu.memory_space<hbm>>
    tpu.wait_dma2 semaphore(%arg22 : memref<!tpu.dma_semaphore, #tpu.memory_space<semaphore_mem>>) src(%arg10 : memref<224x128xf32, #tpu.memory_space<vmem>>) dst(%dma_wait3A_34 : memref<224x128xf32, #tpu.memory_space<hbm>>)
    %dma_wait3A_35 = arith.constant 0 : i32
    %dma_wait3A_36 = arith.constant 0 : i32
    %dma_wait3A_37 = tpu.memref_slice %arg4[%dma_wait3A_35, %dma_wait3A_36] : memref<401408x128xf32, #tpu.memory_space<hbm>> -> memref<224x128xf32, #tpu.memory_space<hbm>>
    %dma_wait3A_38 = arith.constant 0 : i32
    %dma_wait3A_39 = arith.constant 0 : i32
    %dma_wait3A_40 = tpu.memref_slice %arg4[%dma_wait3A_38, %dma_wait3A_39] : memref<401408x128xf32, #tpu.memory_space<hbm>> -> memref<224x128xf32, #tpu.memory_space<hbm>>
    tpu.wait_dma2 semaphore(%arg23 : memref<!tpu.dma_semaphore, #tpu.memory_space<semaphore_mem>>) src(%arg11 : memref<224x128xf32, #tpu.memory_space<vmem>>) dst(%dma_wait3A_40 : memref<224x128xf32, #tpu.memory_space<hbm>>)
    %dma_wait3A_41 = arith.constant 0 : i32
    %dma_wait3A_42 = arith.constant 0 : i32
    %dma_wait3A_43 = tpu.memref_slice %arg4[%dma_wait3A_41, %dma_wait3A_42] : memref<401408x128xf32, #tpu.memory_space<hbm>> -> memref<224x128xf32, #tpu.memory_space<hbm>>
    %dma_wait3A_44 = arith.constant 0 : i32
    %dma_wait3A_45 = arith.constant 0 : i32
    %dma_wait3A_46 = tpu.memref_slice %arg4[%dma_wait3A_44, %dma_wait3A_45] : memref<401408x128xf32, #tpu.memory_space<hbm>> -> memref<224x128xf32, #tpu.memory_space<hbm>>
    tpu.wait_dma2 semaphore(%arg24 : memref<!tpu.dma_semaphore, #tpu.memory_space<semaphore_mem>>) src(%arg12 : memref<224x128xf32, #tpu.memory_space<vmem>>) dst(%dma_wait3A_46 : memref<224x128xf32, #tpu.memory_space<hbm>>)
    return
  }
}

</mosaic_0001>

<sc_bundles>
// kernel: kernel.3.cloned.1.call-start
scs
__scs_entry_jumppad:
0x0: {  	(pc) =	sbr.rel $0x88, $3  }
0x1: {  	(tag) =	ssettag $0x0;
	lr =	simm.s32 $0x1  }
0x2: {  	[smem:$0x3F9F] =	sst lr;
	_ =	strace $0xD0000000  }
0x3: {  	_ = 	snop  }
0x4: {  	_ = 	snop  }
0x5: {  	_ = 	snop  }
0x6: {  	_ = 	snop  }
0x7: {  	_ = 	snop  }
__scs_overlays_trampoline_lowered:
0x8: {  	[smem:$0x3FAE] =	sst s0  }
0x9: {  	[smem:$0x3FAF] =	sst s1  }
0xa: {  	[smem:$0x3FB0] =	sst s2  }
0xb: {  	[smem:$0x3FB1] =	sst s3  }
0xc: {  	[smem:$0x3FB2] =	sst s4  }
0xd: {  	[smem:$0x3FB3] =	sst s5  }
0xe: {  	[smem:$0x3FB4] =	sst s6  }
0xf: {  	[smem:$0x3FB5] =	sst s7  }
0x10: {  	[smem:$0x3FB6] =	sst s8  }
0x11: {  	[smem:$0x3FB7] =	sst s9;
	s0 =	simm.s32 @!p0 $0x0  }
0x12: {  	s1 =	sld [smem:$0x3F9D];
	s0 =	simm.s32 @p0 $0x1  }
0x13: {  	[smem:$0x3FB8] =	sst s0;
	s0 =	simm.s32 @!p1 $0x0  }
0x14: {  	s2 =	sld [smem:$0x3F9C];
	s0 =	simm.s32 @p1 $0x1  }
0x15: {  	[smem:$0x3FB9] =	sst s0;
	s0 =	simm.s32 @!p2 $0x0  }
0x16: {  	s3 =	sld [smem:$0x3FDB];
	s0 =	simm.s32 @p2 $0x1  }
0x17: {  	s4 =	simm.s32 $0x1BF5;
	[smem:$0x3FBB] =	sst s0  }
0x18: {  	s0 =	sld [smem:$0x3F9E];
	_ =	swait.ge [sflag:s4], $0x0  }
0x19: {  	s7 =	sld [smem:$0x3F9F]  }
0x1a: {  	s8 =	sadd.s32 $0xFFFFE003, lr  }
0x1b: {  	s9 =	sadd.s32 $0xFFFFFEF7, lr;
	s5 =	simm.s32 $0xFFFFFFFF;
	p2 =	slt.u32 s8, $0xFFFFF086  }
0x1c: {  	p1 =	slt.u32 s9, $0xF7A;
	s5 =	simm.s32 @!p2 $0x0  }
0x1d: {  	s5 =	simm.s32 @p1 $0x1;
	p0 =	seq.s32 s7, s2  }
0x1e: {  	s7 =	smul.u32 @!p0 $0xF7A, s2;
	p2 =	seq.s32 @!p0 s5, $0x0  }
0x1f: {  	s9 =	smul.u32 $0xF7A, s1;
	s8 =	simm.s32 @!p0 $0x1BF5;
	p2 =	por !p2, p0  }
0x20: {  	[sflag:s8] =	ssyncset.s32 @!p0 $0xFFFFF086;
	s6 =	sadd.s32 @!p0 s3, s7;
	s7 =	simm.s32 @!p0 $0x108  }
0x21: {  	s3 =	sadd.s32 s3, s9;
	s6 =	sadd.s32 @!p0 $0x88, s6;
	s7 =	simm.s32 @p2 $0x1082  }
0x22: {  	[simem:s7], [sflag:s8] =	dma.local @!p0 [hbm:s6], $0xF7A  }
0x23: {  	s9 =	sor.u32 $0xD0000000, s2;
	s6 =	simm.s32 $0x108;
	_ =	swait.ge @!p0 [sflag:s8], $0x0  }
0x24: {  	s3 =	sadd.s32 $0x88, s3;
	s6 =	simm.s32 @!p1 $0x1082;
	[sflag:s4] =	ssyncset.s32 $0xFFFFF086  }
0x25: {  	[simem:s6], [sflag:s4] =	dma.local [hbm:s3], $0xF7A  }
0x26: {  	[smem:$0x3F9F] =	sst s1;
	(tag) =	ssettag s2;
	_ =	strace s9  }
0x27: {  	s1 =	sld [smem:$0x3FAF]  }
0x28: {  	s2 =	sld [smem:$0x3FB0]  }
0x29: {  	s4 =	sld [smem:$0x3FB2]  }
0x2a: {  	p0 =	seq.s32 s5, $0x0;
	s5 =	sld [smem:$0x3FB3]  }
0x2b: {  	s6 =	sld [smem:$0x3FB4]  }
0x2c: {  	s7 =	sld [smem:$0x3FB5]  }
0x2d: {  	s3 =	simm.s32 $0x108;
	s8 =	sld [smem:$0x3FB6]  }
0x2e: {  	s3 =	simm.s32 @!p0 $0x1082;
	s9 =	sld [smem:$0x3FB7]  }
0x2f: {  	lr =	sadd.s32 s0, s3;
	s0 =	sld [smem:$0x3FAE]  }
0x30: {  	s3 =	sld [smem:$0x3FB1]  }
0x31: {  	[smem:$0x3FBA] =	sst s10  }
0x32: {  	s10 =	sld [smem:$0x3FB8];
	_ =	sdelay $0x3  }
0x33: {  	p0 =	seq.s32 s10, $0x1;
	s10 =	sld [smem:$0x3FBA];
	_ =	sdelay $0x3  }
0x34: {  	[smem:$0x3FBA] =	sst s10  }
0x35: {  	s10 =	sld [smem:$0x3FB9];
	_ =	sdelay $0x3  }
0x36: {  	p1 =	seq.s32 s10, $0x1;
	s10 =	sld [smem:$0x3FBA];
	_ =	sdelay $0x3  }
0x37: {  	[smem:$0x3FBA] =	sst s10  }
0x38: {  	s10 =	sld [smem:$0x3FBB]  }
0x39: {  	_ = 	snop;
	(pc) =	sbr.ind lr, $3  }
0x3a: {  	_ = 	snop  }
0x3b: {  	_ = 	snop  }
0x3c: {  	p2 =	seq.s32 s10, $0x1;
	s10 =	sld [smem:$0x3FBA]  }
0x3d: {  	_ =	shalt  }
0x3e: {  	_ =	shalt  }
0x3f: {  	_ =	shalt  }
0x40: {  	_ =	shalt  }
0x41: {  	_ =	shalt  }
0x42: {  	_ =	shalt  }
0x43: {  	_ =	shalt  }
0x44: {  	_ =	shalt  }
0x45: {  	_ =	shalt  }
0x46: {  	_ =	shalt  }
0x47: {  	_ =	shalt  }
0x48: {  	_ =	shalt  }
0x49: {  	_ =	shalt  }
0x4a: {  	_ =	shalt  }
0x4b: {  	_ =	shalt  }
0x4c: {  	_ =	shalt  }
0x4d: {  	_ =	shalt  }
0x4e: {  	_ =	shalt  }
0x4f: {  	_ =	shalt  }
0x50: {  	_ =	shalt  }
0x51: {  	_ =	shalt  }
0x52: {  	_ =	shalt  }
0x53: {  	_ =	shalt  }
0x54: {  	_ =	shalt  }
0x55: {  	_ =	shalt  }
0x56: {  	_ =	shalt  }
0x57: {  	_ =	shalt  }
0x58: {  	_ =	shalt  }
0x59: {  	_ =	shalt  }
0x5a: {  	_ =	shalt  }
0x5b: {  	_ =	shalt  }
0x5c: {  	_ =	shalt  }
0x5d: {  	_ =	shalt  }
0x5e: {  	_ =	shalt  }
0x5f: {  	_ =	shalt  }
0x60: {  	_ =	shalt  }
0x61: {  	_ =	shalt  }
0x62: {  	_ =	shalt  }
0x63: {  	_ =	shalt  }
0x64: {  	_ =	shalt  }
0x65: {  	_ =	shalt  }
0x66: {  	_ =	shalt  }
0x67: {  	_ =	shalt  }
0x68: {  	_ =	shalt  }
0x69: {  	_ =	shalt  }
0x6a: {  	_ =	shalt  }
0x6b: {  	_ =	shalt  }
0x6c: {  	_ =	shalt  }
0x6d: {  	_ =	shalt  }
0x6e: {  	_ =	shalt  }
0x6f: {  	_ =	shalt  }
0x70: {  	_ =	shalt  }
0x71: {  	_ =	shalt  }
0x72: {  	_ =	shalt  }
0x73: {  	_ =	shalt  }
0x74: {  	_ =	shalt  }
0x75: {  	_ =	shalt  }
0x76: {  	_ =	shalt  }
0x77: {  	_ =	shalt  }
0x78: {  	_ =	shalt  }
0x79: {  	_ =	shalt  }
0x7a: {  	_ =	shalt  }
0x7b: {  	_ =	shalt  }
0x7c: {  	_ =	shalt  }
0x7d: {  	_ =	shalt  }
0x7e: {  	_ =	shalt  }
0x7f: {  	_ =	shalt  }
0x80: {  	_ =	shalt  }
0x81: {  	_ =	shalt  }
0x82: {  	_ =	shalt  }
0x83: {  	_ =	shalt  }
0x84: {  	_ =	shalt  }
0x85: {  	_ =	shalt  }
0x86: {  	_ =	shalt  }
0x87: {  	_ =	shalt  }
.Lfunc_end0:
.L_simem_size_0:
called_computation_lowered:
.L_overlay_start_0:
0x88: {  	s2 =	sld [smem:$0x3FD9]  }
0x89: {  	s3 =	sld [smem:$0x3FFE];
	_ =	sdelay $0x1  }
0x8a: {  	s1 =	srdreg.scid  }
0x8b: {  	s0 =	sand.u32 $0x1, s1  }
0x8c: {  	s17 =	sshll.u32 s0, $0xA;
	s2 =	sadd.s32 s3, s2  }
0x8d: {  	s2 =	sadd.s32 s2, s17  }
0x8e: {  	[smem:$0x3FC6] =	sst s2  }
0x8f: {  	_ = 	snop  }
0x90: {  	s2 =	sld [smem:$0x3FC8]  }
0x91: {  	s18 =	sld [smem:$0x3FD0];
	(tm) =	ssettm $0x1  }
0x92: {  	s4 =	sld [smem:$0x3FFB];
	_ =	sdelay $0x3  }
0x93: {  	_ =	strace s4  }
0x94: {  	s4 =	sld [smem:$0x3FFC];
	_ =	sdelay $0x3  }
0x95: {  	_ =	strace s4  }
0x96: {  	s4 =	sld [smem:$0x3FFD];
	_ =	sdelay $0x3  }
0x97: {  	_ =	strace s4  }
0x98: {  	_ =	strace $0x8FFFFFFF  }
0x99: {  	s19 =	sld [smem:$0x3FDB];
	_ =	sdelay $0x1  }
0x9a: {  	s5 =	simm.s32 $_scs_section_size  }
0x9b: {  	s6 =	simm.s32 $_size__tile_overlayer_lowered;
	s7 =	simm.s32 $_tile_overlayer_lowered  }
0x9c: {  	s22 =	simm.s32 $0x1BFF;
	s21 =	sshll.u32 s7, $0x1;
	s4 =	sadd.s32 s5, s19  }
0x9d: {  	s8 =	simm.s32 $0x0;
	s20 =	sshll.u32 s6, $0x1;
	s6 =	sadd.s32 s21, s4  }
0x9e: {  	[timem:s8], [sflag:s22] =	dma.local [hbm:s6], s20  }
0x9f: {  	_ =	swait.ge [sflag:s22], s20  }
0xa0: {  	s5 =	ssub.s32 $0x0, s20;
	[sflag:s22] =	ssyncset.done $0x0  }
0xa1: {  	[sflag:s22] =	ssyncadd.s32 s5;
	_ =	sdelay $0x1  }
0xa2: {  	s23 =	simm.s32 $0x1B8B  }
0xa3: {  	_ =	swait.ge [sflag:s23], $0x1  }
0xa4: {  	[sflag:s23] =	ssyncset.done $0x0  }
0xa5: {  	s25 =	simm.s32 $0x1B8E;
	s24 =	sld [smem:$0x3FFE];
	[sflag:s23] =	ssyncadd.s32 $0xFFFFFFFF  }
0xa6: {  	s26 =	simm.s32 $execute0_lowered;
	[smem:$0x3FD2] =	sst s25  }
0xa7: {  	s6 =	sshll.u32 s26, $0x1;
	_ =	strace $0x80000046;
	[dreg:$0x1] =	wrdreg $0xFFFFFFFF  }
0xa8: {  	s28 =	simm.s32 $_size_execute0_lowered;
	s4 =	sadd.s32 s4, s6;
	[dreg:$0x0] =	wrdreg $0x0  }
0xa9: {  	s6 =	sshll.u32 s28, $0x1;
	[dreg:$0x2] =	wrdreg s4  }
0xaa: {  	[dreg:$0x3] =	wrdreg s6  }
0xab: {  	[dreg:$0x4] =	wrdreg $0xC0  }
0xac: {  	_ =	task [dreg:s8], $0x5FFFF  }
0xad: {  	[dreg:$0x1] =	wrdreg $0xFFFFFFFF  }
0xae: {  	[dreg:$0x0] =	wrdreg $0x60  }
0xaf: {  	[dreg:$0x2] =	wrdreg s2  }
0xb0: {  	[dreg:$0x3] =	wrdreg s24  }
0xb1: {  	[dreg:$0x4] =	wrdreg s18  }
0xb2: {  	[dreg:$0x5] =	wrdreg $0x9  }
0xb3: {  	_ =	task.clear_ibuf [dreg:s8], $0x6FFFF;
	_ =	strace $0x90000046  }
0xb4: {  	s29 =	simm.s32 $0x9;
	_ =	strace $0x80000048  }
0xb5: {  	_ =	swait.ge [sflag:s29], $0x1  }
0xb6: {  	[sflag:s29] =	ssyncadd.s32 $0xFFFFFFFF  }
0xb7: {  	_ =	strace $0x90000048  }
0xb8: {  	_ =	sfence  }
0xb9: {  	s30 =	sld [smem:$0x0];
	_ =	sdelay $0x2  }
0xba: {  	s31 =	sshll.u32 s1, $0xD;
	s1 =	sshrl.u32 s1, $0x2  }
0xbb: {  	s3 =	sand.u32 $0x4000, s31;
	s1 =	sadd.s32 s1, s30  }
0xbc: {  	s0 =	sor.u32 s3, s0;
	s1 =	sshll.u32 s1, $0x11  }
0xbd: {  	s0 =	sor.u32 s1, s0  }
0xbe: {  	s0 =	sadd.s32 $0x8F2B, s0  }
0xbf: {  	[sflag:s0] =	ssyncadd.remote.s32 $0x1  }
0xc0: {  	_ =	sfence.sel $0xFFFF  }
0xc1: {  	[dreg:$0x0] =	wrdreg $0xFFFFFFFF;
	(pc) =	sbr.abs _section_cstart, $3  }
0xc2: {  	[dreg:$0x1] =	wrdreg $0xFFFFFFFF  }
0xc3: {  	_ =	task.clear_ibuf [dreg:s8], $0x2FFFF;
	_ =	strace $0x9FFFFFFF  }
0xc4: {  	(tm) =	ssettm $0x7FFFFFFF  }
0xc5: {  	_ =	shalt  }
tec
execute0_lowered:
.L_overlay_start_1:
0x0: {  	(tag) =	ssettag $0x1  }
0x1: {  	s1 =	rddreg [dreg:$0x0]  }
0x2: {  	s0 =	srdreg.scid;
	s2 =	rddreg [dreg:$0x1]  }
0x3: {  	s10 =	stileid.u32;
	s5 =	rddreg [dreg:$0x2];
	s28 =	simm.s32 $0x6  }
0x4: {  	s29 =	simm.s32 $0x3;
	s30 =	simm.s32 $0xE400;
	s14 =	smul.u32 $0x6200, s10  }
0x5: {  	s31 =	simm.s32 $0x270;
	s0 =	sand.u32 $0x1, s0;
	s21 =	smul.u32 $0x62000, s10  }
0x6: {  	s13 =	simm.s32 $0x0;
	s3 =	sshll.u32 s10, $0x1;
	s8 =	smul.u32 $0x3100, s0  }
0x7: {  	s4 =	sor.u32 s0, s3;
	s7 =	ssub.s32 $0x2, s0;
	s0 =	smul.u32 $0x31000, s0  }
0x8: {  	s10 =	simm.s32 $0x8;
	s3 =	simm.s32 $0x0;
	s6 =	smul.u32 $0x3100, s4  }
0x9: {  	[smem:$0x7FF] =	sst s3;
	s4 =	sadd.s32 $0x400, s2;
	s9 =	sshrl.u32 s7, $0x1  }
0xa: {  	s5 =	sadd.s32 s21, s5;
	_ =	strace $0x80000047;
	s15 =	ssub.s32 s7, s9  }
0xb: {  	s2 =	sadd.s32 s8, s14;
	s7 =	simm.s32 $0x15400;
	s8 =	simm.s32 $0x370  }
0xc: {  	s9 =	simm.s32 $0x18C00;
	s6 =	sshrl.u32 s6, $0x3;
	s19 =	sadd.s32 $0x620, s2  }
0xd: {  	s22 =	sadd.s32 $0x540, s2;
	s23 =	sadd.s32 $0x460, s2;
	s26 =	sadd.s32 $0x380, s2  }
0xe: {  	s2 =	simm.s32 $0x11C00;
	s11 =	sadd.s32 s4, s6;
	s6 =	smax.u32 s15, $0x1  }
0xf: {  	s20 =	sshrl.u32 s19, $0x3;
	s25 =	sshrl.u32 s23, $0x3;
	[dreg:$0xc] =	wrdreg s26  }
0x10: {  	s19 =	simm.s32 $0x70;
	s23 =	simm.s32 $0x2;
	[dreg:$0x4] =	wrdreg s11  }
0x11: {  	s26 =	simm.s32 $0xAC00;
	s16 =	sadd.s32 $0x1C, s11;
	[dreg:$0x8] =	wrdreg s6  }
0x12: {  	s17 =	sadd.s32 $0x38, s11;
	s18 =	sadd.s32 $0x54, s11;
	[dreg:$0x5] =	wrdreg s16  }
0x13: {  	s6 =	sadd.s32 s20, s4;
	s11 =	sadd.s32 s0, s5;
	[dreg:$0x6] =	wrdreg s17  }
.Ltmp0:
0x14: {  	s0 =	sadd.s32 s25, s4;
	[dreg:$0x7] =	wrdreg s18;
	(pc) =	sbr.rel .LBB2_1-.Ltmp0, $4  }
0x15: {  	s20 =	simm.s32 $0x400;
	[dreg:$0x9] =	wrdreg s6;
	s6 =	sshrl.u32 s22, $0x3  }
0x16: {  	[dreg:$0xb] =	wrdreg s0;
	s17 =	simm.s32 $0x300;
	s18 =	simm.s32 $0x1  }
0x17: {  	s22 =	simm.s32 $0x5;
	s0 =	simm.s32 $0x7;
	s24 =	sadd.s32 s6, s4  }
0x18: {  	s6 =	simm.s32 $0x4;
	[dreg:$0xa] =	wrdreg s24;
	s24 =	simm.s32 $0x7400  }
.LBB2_4:
0x19: {  	s5 =	simm.s32 $0x9  }
0x1a: {  	_ =	swait.ge [sflag:s5], $0x7000  }
0x1b: {  	[sflag:s5] =	ssyncset.done $0x0  }
0x1c: {  	s16 =	simm.s32 $0xA;
	[sflag:s5] =	ssyncadd.s32 $0xFFFF9000  }
0x1d: {  	_ =	swait.ge [sflag:s16], $0x7000  }
0x1e: {  	[sflag:s16] =	ssyncset.done $0x0  }
0x1f: {  	s21 =	simm.s32 $0xB;
	[sflag:s16] =	ssyncadd.s32 $0xFFFF9000  }
0x20: {  	_ =	swait.ge [sflag:s21], $0x7000  }
0x21: {  	[sflag:s21] =	ssyncset.done $0x0  }
0x22: {  	s12 =	simm.s32 $0xC;
	[sflag:s21] =	ssyncadd.s32 $0xFFFF9000  }
0x23: {  	_ =	swait.ge [sflag:s12], $0x7000  }
0x24: {  	s13 =	rddreg [dreg:$0xd]  }
0x25: {  	s25 =	rddreg [dreg:$0x8];
	s13 =	sadd.s32 $0x1, s13  }
0x26: {  	p0 =	sne.s32 s13, s25  }
.Ltmp1:
0x27: {  	_ = 	snop;
	(pc) =	sbr.rel @!p0 .LBB2_5-.Ltmp1, $3  }
0x28: {  	_ =	sdelay $0x1  }
0x29: {  	[sflag:s12] =	ssyncset.done $0x0  }
0x2a: {  	[sflag:s12] =	ssyncadd.s32 $0xFFFF9000  }
.LBB2_1:
0x2b: {  	[dreg:$0xd] =	wrdreg s13  }
0x2c: {  	s5 =	rddreg [dreg:$0x4]  }
0x2d: {  	s15 =	rddreg [dreg:$0x5]  }
0x2e: {  	s16 =	rddreg [dreg:$0x6]  }
0x2f: {  	s25 =	rddreg [dreg:$0x7]  }
0x30: {  	s13 =	rddreg [dreg:$0xb]  }
0x31: {  	[tilespmem:s3], [sflag:$0x1] =	stream.linear.gather [hbm4b:s5+s3], $0xE0, $0x38;
	[tilespmem:$0x1C400] =	vst v63  }
0x32: {  	s12 =	simm.s32 $0x100;
	s14 =	rddreg [dreg:$0xa]  }
0x33: {  	[tilespmem:s12], [sflag:$0x2] =	stream.linear.gather [hbm4b:s15+s3], $0xE0, $0x38;
	[tilespmem:$0x1C400] =	vst v63  }
0x34: {  	s21 =	simm.s32 $0x200;
	s12 =	rddreg [dreg:$0xc]  }
0x35: {  	[tilespmem:s21], [sflag:$0x3] =	stream.linear.gather [hbm4b:s16+s3], $0xE0, $0x38;
	[tilespmem:$0x1C400] =	vst v63  }
0x36: {  	s5 =	simm.s32 $0x0;
	s15 =	rddreg [dreg:$0x9]  }
0x37: {  	[tilespmem:s17], [sflag:$0x4] =	stream.linear.gather [hbm4b:s25+s3], $0xE0, $0x38;
	[tilespmem:$0x1C400] =	vst v63  }
.LBB2_2:
0x38: {  	_ =	swait.ge [sflag:s18], $0xE0  }
0x39: {  	p0 =	seq.s32 s5, $0x0;
	[sflag:s18] =	ssyncset.done $0x0  }
0x3a: {  	s21 =	simm.s32 @!p0 $0x9;
	[sflag:s18] =	ssyncadd.s32 $0xFFFFFF20  }
0x3b: {  	_ =	swait.ge @!p0 [sflag:s21], $0x7000  }
0x3c: {  	[sflag:s21] =	ssyncset.done @!p0 $0x0  }
0x3d: {  	[sflag:s21] =	ssyncadd.s32 @!p0 $0xFFFF9000  }
0x3e: {  	[tilespmem:s20], [sflag:$0x5] =	stream.indirect.gather [hbm4b:s1+s19], $0x80, s3, s19, $0xb8;
	[tilespmem:$0x1C400] =	vst v63  }
0x3f: {  	s16 =	simm.s32 $0x3C00  }
0x40: {  	[tilespmem:s16], [sflag:$0x5] =	stream.indirect.gather [hbm4b:s1+s19], $0x80, s19, s19, $0xb8;
	[tilespmem:$0x1C400] =	vst v63  }
0x41: {  	_ =	swait.ge [sflag:s22], $0x3800  }
0x42: {  	[sflag:s22] =	ssyncset.done $0x0  }
0x43: {  	[sflag:s22] =	ssyncadd.s32 $0xFFFFC800  }
0x44: {  	_ =	swait.ge [sflag:s22], $0x3800  }
0x45: {  	p1 =	seq.s32 s5, $0x2D800;
	[sflag:s22] =	ssyncset.done $0x0  }
0x46: {  	s21 =	sadd.s32 s5, s11;
	s16 =	sshrl.u32 @!p1 s12, $0x3;
	[sflag:s22] =	ssyncadd.s32 $0xFFFFC800  }
0x47: {  	[hbm4b:s21+s3] =	stream.linear.scatter [tilespmem:s20], [sflag:$0x9], $0x7000, $0x38;
	[tilespmem:$0x1C400] =	vst v63  }
0x48: {  	s25 =	simm.s32 @!p1 $0x0;
	s16 =	sadd.s32 @!p1 s4, s16  }
0x49: {  	[tilespmem:s25], [sflag:$0x1] =	stream.linear.gather @!p1 [hbm4b:s16+s25], $0xE0, $0x38;
	[tilespmem:$0x1C400] =	vst v63  }
0x4a: {  	_ =	swait.ge [sflag:s23], $0xE0  }
0x4b: {  	[sflag:s23] =	ssyncset.done $0x0  }
0x4c: {  	s16 =	simm.s32 @!p0 $0xA;
	[sflag:s23] =	ssyncadd.s32 $0xFFFFFF20  }
0x4d: {  	_ =	swait.ge @!p0 [sflag:s16], $0x7000  }
0x4e: {  	[sflag:s16] =	ssyncset.done @!p0 $0x0  }
0x4f: {  	[sflag:s16] =	ssyncadd.s32 @!p0 $0xFFFF9000;
	s16 =	simm.s32 $0x100  }
0x50: {  	[tilespmem:s24], [sflag:$0x6] =	stream.indirect.gather [hbm4b:s1+s19], $0x80, s16, s19, $0xb8;
	[tilespmem:$0x1C400] =	vst v63  }
0x51: {  	s16 =	simm.s32 $0x170  }
0x52: {  	[tilespmem:s26], [sflag:$0x6] =	stream.indirect.gather [hbm4b:s1+s19], $0x80, s16, s19, $0xb8;
	[tilespmem:$0x1C400] =	vst v63  }
0x53: {  	_ =	swait.ge [sflag:s28], $0x3800  }
0x54: {  	[sflag:s28] =	ssyncset.done $0x0  }
0x55: {  	[sflag:s28] =	ssyncadd.s32 $0xFFFFC800  }
0x56: {  	_ =	swait.ge [sflag:s28], $0x3800  }
0x57: {  	[sflag:s28] =	ssyncset.done $0x0  }
0x58: {  	s16 =	sadd.s32 $0xE00, s21;
	[sflag:s28] =	ssyncadd.s32 $0xFFFFC800  }
0x59: {  	[hbm4b:s16+s3] =	stream.linear.scatter [tilespmem:s24], [sflag:$0xA], $0x7000, $0x38;
	[tilespmem:$0x1C400] =	vst v63  }
0x5a: {  	s16 =	simm.s32 @!p1 $0x100  }
0x5b: {  	[tilespmem:s16], [sflag:$0x2] =	stream.linear.gather @!p1 [hbm4b:s13+s25], $0xE0, $0x38;
	[tilespmem:$0x1C400] =	vst v63  }
0x5c: {  	_ =	swait.ge [sflag:s29], $0xE0  }
0x5d: {  	[sflag:s29] =	ssyncset.done $0x0  }
0x5e: {  	s16 =	simm.s32 @!p0 $0xB;
	[sflag:s29] =	ssyncadd.s32 $0xFFFFFF20  }
0x5f: {  	_ =	swait.ge @!p0 [sflag:s16], $0x7000  }
0x60: {  	[sflag:s16] =	ssyncset.done @!p0 $0x0  }
0x61: {  	[sflag:s16] =	ssyncadd.s32 @!p0 $0xFFFF9000;
	s16 =	simm.s32 $0x200  }
0x62: {  	[tilespmem:s30], [sflag:$0x7] =	stream.indirect.gather [hbm4b:s1+s19], $0x80, s16, s19, $0xb8;
	[tilespmem:$0x1C400] =	vst v63  }
0x63: {  	_ = 	snop  }
0x64: {  	[tilespmem:s2], [sflag:$0x7] =	stream.indirect.gather [hbm4b:s1+s19], $0x80, s31, s19, $0xb8;
	[tilespmem:$0x1C400] =	vst v63  }
0x65: {  	_ =	swait.ge [sflag:s0], $0x3800  }
0x66: {  	[sflag:s0] =	ssyncset.done $0x0  }
0x67: {  	[sflag:s0] =	ssyncadd.s32 $0xFFFFC800  }
0x68: {  	_ =	swait.ge [sflag:s0], $0x3800  }
0x69: {  	[sflag:s0] =	ssyncset.done $0x0  }
0x6a: {  	s16 =	sadd.s32 $0x1C00, s21;
	[sflag:s0] =	ssyncadd.s32 $0xFFFFC800  }
0x6b: {  	[hbm4b:s16+s3] =	stream.linear.scatter [tilespmem:s30], [sflag:$0xB], $0x7000, $0x38;
	[tilespmem:$0x1C400] =	vst v63  }
0x6c: {  	s16 =	simm.s32 @!p1 $0x200  }
0x6d: {  	[tilespmem:s16], [sflag:$0x3] =	stream.linear.gather @!p1 [hbm4b:s14+s25], $0xE0, $0x38;
	[tilespmem:$0x1C400] =	vst v63  }
0x6e: {  	_ =	swait.ge [sflag:s6], $0xE0  }
0x6f: {  	[sflag:s6] =	ssyncset.done $0x0  }
0x70: {  	s16 =	simm.s32 @!p0 $0xC;
	[sflag:s6] =	ssyncadd.s32 $0xFFFFFF20  }
0x71: {  	_ =	swait.ge @!p0 [sflag:s16], $0x7000  }
0x72: {  	[sflag:s16] =	ssyncset.done @!p0 $0x0  }
0x73: {  	[sflag:s16] =	ssyncadd.s32 @!p0 $0xFFFF9000  }
0x74: {  	[tilespmem:s7], [sflag:$0x8] =	stream.indirect.gather [hbm4b:s1+s19], $0x80, s17, s19, $0xb8;
	[tilespmem:$0x1C400] =	vst v63  }
0x75: {  	_ = 	snop  }
0x76: {  	[tilespmem:s9], [sflag:$0x8] =	stream.indirect.gather [hbm4b:s1+s19], $0x80, s8, s19, $0xb8;
	[tilespmem:$0x1C400] =	vst v63  }
0x77: {  	_ =	swait.ge [sflag:s10], $0x3800  }
0x78: {  	[sflag:s10] =	ssyncset.done $0x0  }
.Ltmp2:
0x79: {  	[sflag:s10] =	ssyncadd.s32 $0xFFFFC800;
	(pc) =	sbr.rel @p1 .LBB2_4-.Ltmp2, $4  }
0x7a: {  	_ =	swait.ge [sflag:s10], $0x3800  }
0x7b: {  	[sflag:s10] =	ssyncset.done $0x0  }
0x7c: {  	s25 =	sadd.s32 $0x2A00, s21;
	[sflag:s10] =	ssyncadd.s32 $0xFFFFC800  }
0x7d: {  	[hbm4b:s25+s3] =	stream.linear.scatter [tilespmem:s7], [sflag:$0xC], $0x7000, $0x38;
	[tilespmem:$0x1C400] =	vst v63  }
.Ltmp3:
0x7e: {  	(pc) =	sbr.rel .LBB2_2-.Ltmp3, $4  }
0x7f: {  	_ = 	snop  }
0x80: {  	[tilespmem:s17], [sflag:$0x4] =	stream.linear.gather [hbm4b:s15+s3], $0xE0, $0x38;
	[tilespmem:$0x1C400] =	vst v63  }
0x81: {  	s15 =	sadd.s32 $0x70, s15;
	s5 =	sadd.s32 $0x3800, s5  }
0x82: {  	s14 =	sadd.s32 $0x70, s14;
	s13 =	sadd.s32 $0x70, s13;
	s12 =	sadd.s32 $0x380, s12  }
.LBB2_5:
0x83: {  	_ =	sfence.sel $0x180000  }
0x84: {  	[bflag:$0x0] =	sbarrier.arrive $0xFFFF  }
0x85: {  	_ =	strace $0x90000047  }
0x86: {  	s0 =	stileid.u32;
	[bflag:$0x2] =	sbarrier.arrive $0xFFFF  }
0x87: {  	p0 =	sne.s32 s0, $0x0;
	s0 =	rddreg [dreg:$0x3]  }
0x88: {  	s0 =	sadd.s32 @!p0 $0x100000, s0  }
0x89: {  	[sflag:s0] =	ssyncadd.tile.s32 @!p0 $0x1;
	_ =	shalt  }
.Lfunc_end2:
_tile_overlayer_lowered:
.L_overlay_start_2:
0x8a: {  	(tag) =	ssettag $0x2  }
0x8b: {  	s0 =	rddreg [dreg:$0x0];
	s2 =	stileid.u32  }
0x8c: {  	s1 =	rddreg [dreg:$0x1];
	p0 =	sne.s32 s2, $0x0  }
0x8d: {  	s3 =	rddreg [dreg:$0x2];
	[bflag:$0x3] =	sbarrier.arrive $0xFFFF;
	s2 =	simm.s32 @!p0 $0x1C0D  }
0x8e: {  	[timem:s3], [sflag:s2] =	dma.local @!p0 [hbm:s0], s1  }
0x8f: {  	s0 =	simm.s32 @!p0 $0xD  }
0x90: {  	_ =	swait.ge @!p0 [sflag:s0], s1  }
0x91: {  	s1 =	ssub.s32 @!p0 $0x0, s1;
	[sflag:s0] =	ssyncset.done @!p0 $0x0  }
0x92: {  	[sflag:s0] =	ssyncadd.s32 @!p0 s1  }
0x93: {  	[bflag:$0x3] =	sbarrier.arrive $0xFFFF  }
0x94: {  	_ =	shalt  }

</sc_bundles>
